<compile_context>
chip_gen: v7x
topology: tpu7x:2x2x1
jax: 0.10.2.dev20260603
libtpu: 0.0.44.dev20260713+nightly
codegen_flags: <defaults>
</compile_context>

<pallas_src>
import functools

import jax
import jax.numpy as jnp
from jax import lax
from jax.experimental import pallas as pl
from jax.experimental.pallas import tpu as pltpu
from jax.experimental.pallas import tpu_sc as plsc

_NC = 2
_NS = 16
_NW = _NC * _NS
_L = 16


def _project_body(field_ref, matrix_ref, t_ref):
    m = matrix_ref[...]
    mp = jnp.concatenate(
        [m[:, 0:1], m[:, 2:3], m[:, 3:4], m[:, 1:2]], axis=1
    )
    t_ref[...] = lax.dot_general(
        mp, field_ref[...], (((1,), (1,)), ((), ())),
        preferred_element_type=jnp.float32,
    )


@functools.cache
def _make_project(g, p):
    return pl.pallas_call(
        _project_body,
        out_shape=jax.ShapeDtypeStruct((p, g), jnp.float32),
    )


_TILE = 128


@functools.cache
def _make_gather(n, g, p):
    assert n % _L == 0 and p % 8 == 0
    nt = -(-n // _TILE)
    tpw = -(-nt // _NW)
    bpw = tpw * _TILE
    tail_t = nt - (_NW - 1) * tpw
    assert 0 < tail_t <= tpw
    tail_rows = n - (_NW - 1) * bpw
    assert 0 < tail_rows <= tail_t * _TILE and tail_rows % _L == 0
    mesh = plsc.VectorSubcoreMesh(
        core_axis_name="c", subcore_axis_name="s",
        num_cores=_NC, num_subcores=_NS,
    )

    @functools.partial(
        pl.kernel,
        out_type=jax.ShapeDtypeStruct((p // 8, nt, 8, _TILE), jnp.float32),
        mesh=mesh,
        scratch_types=[
            pltpu.VMEM((p * g,), jnp.float32),
            pltpu.VMEM((bpw,), jnp.int32),
            pltpu.VMEM((p, bpw), jnp.float32),
            pltpu.SemaphoreType.DMA,
            pltpu.SemaphoreType.DMA,
        ],
        compiler_params=pltpu.CompilerParams(
            use_tc_tiling_on_sc=False, needs_layout_passes=False,
        ),
    )
    def gather(t_hbm, idx_hbm, out_hbm, t_v, idx_v, blk_v, sem, sem2):
        wid = lax.axis_index("s") * _NC + lax.axis_index("c")
        base = wid * bpw
        tbase = wid * tpw
        is_tail = wid == _NW - 1
        tiles_w = jnp.where(is_tail, tail_t, tpw)

        c_t = pltpu.async_copy(t_hbm, t_v, sem2)

        @pl.when(jnp.logical_not(is_tail))
        def _stage_main():
            pltpu.async_copy(idx_hbm.at[pl.ds(base, bpw)],
                             idx_v.at[pl.ds(0, bpw)], sem).wait()

        @pl.when(is_tail)
        def _stage_tail():
            pltpu.async_copy(idx_hbm.at[pl.ds(base, tail_rows)],
                             idx_v.at[pl.ds(0, tail_rows)], sem).wait()
            zeros = jnp.zeros((_L,), jnp.int32)

            def zfill(i, carry):
                idx_v[pl.ds(i * _L, _L)] = zeros
                return carry

            lax.fori_loop(tail_rows // _L, bpw // _L, zfill, 0)

        c_t.wait()

        def fire(j, carry):
            for pt in range(p // 8):
                pltpu.async_copy(
                    blk_v.at[pl.ds(pt * 8, 8), pl.ds(j * _TILE, _TILE)],
                    out_hbm.at[pt, tbase + j],
                    sem,
                )
            return carry

        groups = bpw // _L
        t_half = (groups // 2) * _L // _TILE
        for h in range(2):
            @functools.partial(
                plsc.parallel_loop, h * (groups // 2),
                groups if h else groups // 2, unroll=4,
            )
            def group(i):
                off = i * _L
                idx = idx_v[pl.ds(off, _L)]
                for pp in range(p):
                    vals = plsc.load_gather(t_v, [idx + pp * g])
                    blk_v[pp, pl.ds(off, _L)] = vals

            if h == 0:
                lax.fori_loop(0, jnp.minimum(tiles_w, t_half), fire, 0)
            else:
                lax.fori_loop(jnp.minimum(tiles_w, t_half), tiles_w, fire, 0)

        def drain(i, carry):
            pltpu.make_async_copy(
                out_hbm.at[0, 0],
                blk_v.at[pl.ds(0, 8), pl.ds(0, _TILE)],
                sem,
            ).wait()
            return carry

        lax.fori_loop(0, tiles_w * (p // 8), drain, 0)

    return gather


def kernel(batch, positions, field, matrix):
    del positions
    n = batch.shape[0]
    g = field.shape[0]
    p = matrix.shape[0]

    t = _make_project(g, p)(field, matrix)
    idx = batch.astype(jnp.int32)
    out4 = _make_gather(n, g, p)(t.reshape(-1), idx)
    nt = out4.shape[1]
    return out4.transpose(1, 3, 0, 2).reshape(nt * _TILE, p)[:n]

# --- scband reference (transcript-rebuilt; emitter-appended) ---
"""Pipeline reference for scband-displaced-gtoexternal-field-block-6373731467891 (READ-ONLY COPY).

The authoritative reference and input builder live on the scoring server;
editing this copy changes nothing except your own understanding.
"""

import math
import jax, jax.numpy as jnp
import numpy as np

L_RECEIVE = 1
SIGMAS = [1.0, 2.0, 4.0, 8.0]
NORMALIZE = 'multipoles'
N_NODES = 100000
N_GRAPHS = 1024

def get_Cl_sigma(l, sigma, normalize):
    if normalize == 'multipoles':
        l_dep_part = (4 * math.pi / (2 * l + 1)) ** 0.5 * 2 ** ((2 * l + 1) / 2) * math.gamma((2 * l + 3) / 2)
        Cls_inverse = l_dep_part * sigma ** (2 * l + 3)
    elif normalize == 'receiver':
        l_dep_part = 2 ** ((l + 1) / 2) * math.gamma((l + 3) / 2)
        Cls_inverse = l_dep_part * sigma ** (l + 3)
    elif normalize == 'none':
        Cls_inverse = 1.0
    else:
        raise ValueError
    return 1.0 / Cls_inverse

def build_matrix():
    n_sig = len(SIGMAS)
    proj_dim = (L_RECEIVE + 1) ** 2 * n_sig
    matrix = np.zeros((proj_dim, 4), dtype=np.float32)
    for i_s, sigma in enumerate(SIGMAS):
        matrix[i_s, 0] = get_Cl_sigma(0, sigma, NORMALIZE) * (8 * math.pi) ** 0.5 * math.gamma(1.5) * sigma ** 3
    if L_RECEIVE >= 1:
        for i_s, sigma in enumerate(SIGMAS):
            magnitude = get_Cl_sigma(1, sigma, NORMALIZE) * 1.5 ** 0.5 * sigma ** 5 * 2 * math.pi
            for m in range(3):
                matrix[n_sig + i_s * 3 + m, 1 + m] = magnitude
    perm = np.array([[1, 0, 0, 0], [0, 0, 0, 1], [0, 1, 0, 0], [0, 0, 1, 0]], dtype=np.float32)
    return jnp.asarray(matrix @ perm)

def setup_inputs(seed: int = 0) -> dict:
    key = jax.random.key(seed)
    k1, k2, k3 = jax.random.split(key, 3)
    batch = jnp.sort(jax.random.randint(k1, (N_NODES,), 0, N_GRAPHS)).astype(jnp.int64)
    positions = jax.random.normal(k2, (N_NODES, 3), dtype=jnp.float32)
    field = jax.random.normal(k3, (N_GRAPHS, 4), dtype=jnp.float32)
    matrix = build_matrix()
    return {'batch': batch, 'positions': positions, 'field': field, 'matrix': matrix}

def reference(batch, positions, field, matrix):
    node_fields = jnp.take(field, batch, axis=0)
    potential = node_fields[:, 0]
    potential_from_displacement = jnp.einsum('bi,bi->b', positions, node_fields[:, 1:])
    node_fields_updated = node_fields.at[:, 0].add(potential_from_displacement)
    node_fields_perm = node_fields[:, jnp.array([0, 3, 1, 2])]
    projections = jnp.einsum('pf,nf->np', matrix, node_fields_perm)
    return projections

if __name__ == "__main__":
    import jax
    _d = setup_inputs()
    print(jax.jit(kernel)(*tuple(_d.values())))

</pallas_src>

<mosaic_0001>
#map = affine_map<(d0, d1) -> (0)>
#map1 = affine_map<(d0, d1) -> (0, 0, 0, 0)>
module attributes {stable_mosaic.version = 14 : i64} {
  func.func @gather(%arg0: i32, %arg1: i32, %arg2: memref<16384xf32, #tpu.memory_space<hbm>>, %arg3: memref<100000xi32, #tpu.memory_space<hbm>>, %arg4: memref<2x782x8x128xf32, #tpu.memory_space<hbm>>, %arg5: memref<16384xf32, #tpu.memory_space<vmem>>, %arg6: memref<3200xi32, #tpu.memory_space<vmem>>, %arg7: memref<16x3200xf32, #tpu.memory_space<vmem>>, %arg8: memref<!tpu.dma_semaphore, #tpu.memory_space<semaphore_mem>>, %arg9: memref<!tpu.dma_semaphore, #tpu.memory_space<semaphore_mem>>) attributes {dimension_semantics = [#tpu.dimension_semantics<core_parallel>, #tpu.dimension_semantics<subcore_parallel>], iteration_bounds = array<i64: 2, 16>, scalar_prefetch = 0 : i64, scratch_operands = 5 : i64, tpu.core_type = #tpu.core_type<sc_vector_subcore>, window_params = [{transform_indices = #map}, {transform_indices = #map}, {transform_indices = #map1}]} {
    %mul3A = arith.constant 2 : i32
    %mul3A_0 = arith.muli %arg1, %mul3A : i32
    %add3A = arith.addi %mul3A_0, %arg0 : i32
    %mul3A_1 = arith.constant 3200 : i32
    %mul3A_2 = arith.muli %add3A, %mul3A_1 : i32
    %mul3A_3 = arith.constant 25 : i32
    %mul3A_4 = arith.muli %add3A, %mul3A_3 : i32
    %eq3A = arith.constant 31 : i32
    %eq3A_5 = arith.cmpi eq, %add3A, %eq3A : i32
    %jit3A = arith.constant 7 : i32
    %jit3A_6 = arith.constant 25 : i32
    %select_n3A = arith.select %eq3A_5, %jit3A, %jit3A_6 : i32
    tpu.enqueue_dma source(%arg2 : memref<16384xf32, #tpu.memory_space<hbm>>) target(%arg5 : memref<16384xf32, #tpu.memory_space<vmem>>) target_semaphore(%arg9 : memref<!tpu.dma_semaphore, #tpu.memory_space<semaphore_mem>>)
    %not3A = arith.constant true
    %not3A_7 = arith.xori %eq3A_5, %not3A : i1
    %convert_element_type3A = arith.extui %not3A_7 : i1 to i32
    %cond3A = arith.constant 0 : i32
    %cond3A_8 = arith.cmpi ne, %convert_element_type3A, %cond3A : i32
    scf.if %cond3A_8 {
      %dma_start3A = arith.constant 0 : i32
      %dma_start3A_45 = tpu.memref_slice %arg6[%dma_start3A] : memref<3200xi32, #tpu.memory_space<vmem>> -> memref<3200xi32, #tpu.memory_space<vmem>>
      %dma_start3A_46 = tpu.memref_slice %arg3[%mul3A_2] : memref<100000xi32, #tpu.memory_space<hbm>> -> memref<3200xi32, #tpu.memory_space<hbm>>
      %dma_start3A_47 = arith.constant 0 : i32
      %dma_start3A_48 = tpu.memref_slice %arg6[%dma_start3A_47] : memref<3200xi32, #tpu.memory_space<vmem>> -> memref<3200xi32, #tpu.memory_space<vmem>>
      %dma_start3A_49 = tpu.memref_slice %arg3[%mul3A_2] : memref<100000xi32, #tpu.memory_space<hbm>> -> memref<3200xi32, #tpu.memory_space<hbm>>
      tpu.enqueue_dma source(%dma_start3A_49 : memref<3200xi32, #tpu.memory_space<hbm>>) target(%dma_start3A_48 : memref<3200xi32, #tpu.memory_space<vmem>>) target_semaphore(%arg8 : memref<!tpu.dma_semaphore, #tpu.memory_space<semaphore_mem>>)
      %dma_wait3A = arith.constant 0 : i32
      %dma_wait3A_50 = tpu.memref_slice %arg6[%dma_wait3A] : memref<3200xi32, #tpu.memory_space<vmem>> -> memref<3200xi32, #tpu.memory_space<vmem>>
      %dma_wait3A_51 = tpu.memref_slice %arg3[%mul3A_2] : memref<100000xi32, #tpu.memory_space<hbm>> -> memref<3200xi32, #tpu.memory_space<hbm>>
      %dma_wait3A_52 = arith.constant 0 : i32
      %dma_wait3A_53 = tpu.memref_slice %arg6[%dma_wait3A_52] : memref<3200xi32, #tpu.memory_space<vmem>> -> memref<3200xi32, #tpu.memory_space<vmem>>
      %dma_wait3A_54 = tpu.memref_slice %arg3[%mul3A_2] : memref<100000xi32, #tpu.memory_space<hbm>> -> memref<3200xi32, #tpu.memory_space<hbm>>
      tpu.wait_dma2 semaphore(%arg8 : memref<!tpu.dma_semaphore, #tpu.memory_space<semaphore_mem>>) src(%dma_wait3A_54 : memref<3200xi32, #tpu.memory_space<hbm>>) dst(%dma_wait3A_53 : memref<3200xi32, #tpu.memory_space<vmem>>)
    } else {
    }
    %convert_element_type3A_9 = arith.extui %eq3A_5 : i1 to i32
    %cond3A_10 = arith.constant 0 : i32
    %cond3A_11 = arith.cmpi ne, %convert_element_type3A_9, %cond3A_10 : i32
    scf.if %cond3A_11 {
      %dma_start3A = arith.constant 0 : i32
      %dma_start3A_45 = tpu.memref_slice %arg6[%dma_start3A] : memref<3200xi32, #tpu.memory_space<vmem>> -> memref<800xi32, #tpu.memory_space<vmem>>
      %dma_start3A_46 = tpu.memref_slice %arg3[%mul3A_2] : memref<100000xi32, #tpu.memory_space<hbm>> -> memref<800xi32, #tpu.memory_space<hbm>>
      %dma_start3A_47 = arith.constant 0 : i32
      %dma_start3A_48 = tpu.memref_slice %arg6[%dma_start3A_47] : memref<3200xi32, #tpu.memory_space<vmem>> -> memref<800xi32, #tpu.memory_space<vmem>>
      %dma_start3A_49 = tpu.memref_slice %arg3[%mul3A_2] : memref<100000xi32, #tpu.memory_space<hbm>> -> memref<800xi32, #tpu.memory_space<hbm>>
      tpu.enqueue_dma source(%dma_start3A_49 : memref<800xi32, #tpu.memory_space<hbm>>) target(%dma_start3A_48 : memref<800xi32, #tpu.memory_space<vmem>>) target_semaphore(%arg8 : memref<!tpu.dma_semaphore, #tpu.memory_space<semaphore_mem>>)
      %dma_wait3A = arith.constant 0 : i32
      %dma_wait3A_50 = tpu.memref_slice %arg6[%dma_wait3A] : memref<3200xi32, #tpu.memory_space<vmem>> -> memref<800xi32, #tpu.memory_space<vmem>>
      %dma_wait3A_51 = tpu.memref_slice %arg3[%mul3A_2] : memref<100000xi32, #tpu.memory_space<hbm>> -> memref<800xi32, #tpu.memory_space<hbm>>
      %dma_wait3A_52 = arith.constant 0 : i32
      %dma_wait3A_53 = tpu.memref_slice %arg6[%dma_wait3A_52] : memref<3200xi32, #tpu.memory_space<vmem>> -> memref<800xi32, #tpu.memory_space<vmem>>
      %dma_wait3A_54 = tpu.memref_slice %arg3[%mul3A_2] : memref<100000xi32, #tpu.memory_space<hbm>> -> memref<800xi32, #tpu.memory_space<hbm>>
      tpu.wait_dma2 semaphore(%arg8 : memref<!tpu.dma_semaphore, #tpu.memory_space<semaphore_mem>>) src(%dma_wait3A_54 : memref<800xi32, #tpu.memory_space<hbm>>) dst(%dma_wait3A_53 : memref<800xi32, #tpu.memory_space<vmem>>)
      %broadcast_in_dim3A = arith.constant 0 : i32
      %broadcast_in_dim3A_55 = vector.broadcast %broadcast_in_dim3A : i32 to vector<16xi32>
      %scan3A = arith.constant 0 : i32
      %scan3A_56 = arith.constant 50 : i32
      %scan3A_57 = arith.constant 150 : i32
      %scan3A_58 = arith.addi %scan3A_56, %scan3A_57 : i32
      %scan3A_59 = arith.constant 1 : i32
      scf.for %scan3A_61 = %scan3A_56 to %scan3A_58 step %scan3A_59  : i32 {
        %mul3A_62 = arith.constant 16 : i32
        %mul3A_63 = arith.muli %scan3A_61, %mul3A_62 : i32
        %swap3A = arith.index_cast %mul3A_63 : i32 to index
        %swap3A_64 = tpu.vector_load %arg6[%swap3A] {strides = array<i32>} : memref<3200xi32, #tpu.memory_space<vmem>>, vector<16xi32>,
        tpu.vector_store %arg6[%swap3A], %broadcast_in_dim3A_55 {strides = array<i32>} : memref<3200xi32, #tpu.memory_space<vmem>>, vector<16xi32>,
      }
      %scan3A_60 = arith.constant 150 : i32
    } else {
    }
    tpu.wait_dma2 semaphore(%arg9 : memref<!tpu.dma_semaphore, #tpu.memory_space<semaphore_mem>>) src(%arg2 : memref<16384xf32, #tpu.memory_space<hbm>>) dst(%arg5 : memref<16384xf32, #tpu.memory_space<vmem>>)
    %min3A = arith.constant 12 : i32
    %min3A_12 = arith.minsi %select_n3A, %min3A : i32
    %while3A = arith.constant 0 : i32
    %while3A_13 = arith.constant 0 : i32
    %while3A_14 = arith.subi %min3A_12, %while3A_13 : i32
    %while3A_15 = arith.addi %while3A_13, %while3A_14 : i32
    %while3A_16 = arith.constant 1 : i32
    %while3A_17 = arith.divsi %while3A_14, %while3A_16 : i32
    %while3A_18 = arith.muli %while3A_17, %while3A_16 : i32
    %while3A_19 = arith.addi %while3A_13, %while3A_18 : i32
    %while3A_20 = arith.constant 1 : i32
    scf.for %while3A_45 = %while3A_13 to %while3A_19 step %while3A_20  : i32 {
      %mul3A_46 = arith.constant 128 : i32
      %mul3A_47 = arith.muli %while3A_45, %mul3A_46 : i32
      %add3A_48 = arith.addi %mul3A_4, %while3A_45 : i32
      %dma_start3A = arith.constant 0 : i32
      %dma_start3A_49 = arith.constant 0 : i32
      %dma_start3A_50 = tpu.memref_slice %arg7[%dma_start3A_49, %mul3A_47] : memref<16x3200xf32, #tpu.memory_space<vmem>> -> memref<8x128xf32, #tpu.memory_space<vmem>>
      %dma_start3A_51 = arith.constant 0 : i32
      %dma_start3A_52 = arith.constant 0 : i32
      %dma_start3A_53 = tpu.memref_slice %arg4[%dma_start3A, %add3A_48, %dma_start3A_51, %dma_start3A_52] : memref<2x782x8x128xf32, #tpu.memory_space<hbm>> -> memref<1x1x8x128xf32, #tpu.memory_space<hbm>>
      %dma_start3A_54 = tpu.memref_squeeze %dma_start3A_53 : memref<1x1x8x128xf32, #tpu.memory_space<hbm>> -> memref<8x128xf32, #tpu.memory_space<hbm>>
      %dma_start3A_55 = arith.constant 0 : i32
      %dma_start3A_56 = arith.constant 0 : i32
      %dma_start3A_57 = tpu.memref_slice %arg4[%dma_start3A, %add3A_48, %dma_start3A_55, %dma_start3A_56] : memref<2x782x8x128xf32, #tpu.memory_space<hbm>> -> memref<1x1x8x128xf32, #tpu.memory_space<hbm>>
      %dma_start3A_58 = tpu.memref_squeeze %dma_start3A_57 : memref<1x1x8x128xf32, #tpu.memory_space<hbm>> -> memref<8x128xf32, #tpu.memory_space<hbm>>
      %dma_start3A_59 = arith.constant 0 : i32
      %dma_start3A_60 = tpu.memref_slice %arg7[%dma_start3A_59, %mul3A_47] : memref<16x3200xf32, #tpu.memory_space<vmem>> -> memref<8x128xf32, #tpu.memory_space<vmem>>
      tpu.enqueue_dma source(%dma_start3A_60 : memref<8x128xf32, #tpu.memory_space<vmem>>) target(%dma_start3A_58 : memref<8x128xf32, #tpu.memory_space<hbm>>) target_semaphore(%arg8 : memref<!tpu.dma_semaphore, #tpu.memory_space<semaphore_mem>>)
      %mul3A_61 = arith.constant 128 : i32
      %mul3A_62 = arith.muli %while3A_45, %mul3A_61 : i32
      %add3A_63 = arith.addi %mul3A_4, %while3A_45 : i32
      %dma_start3A_64 = arith.constant 1 : i32
      %dma_start3A_65 = arith.constant 8 : i32
      %dma_start3A_66 = tpu.memref_slice %arg7[%dma_start3A_65, %mul3A_62] : memref<16x3200xf32, #tpu.memory_space<vmem>> -> memref<8x128xf32, #tpu.memory_space<vmem>>
      %dma_start3A_67 = arith.constant 0 : i32
      %dma_start3A_68 = arith.constant 0 : i32
      %dma_start3A_69 = tpu.memref_slice %arg4[%dma_start3A_64, %add3A_63, %dma_start3A_67, %dma_start3A_68] : memref<2x782x8x128xf32, #tpu.memory_space<hbm>> -> memref<1x1x8x128xf32, #tpu.memory_space<hbm>>
      %dma_start3A_70 = tpu.memref_squeeze %dma_start3A_69 : memref<1x1x8x128xf32, #tpu.memory_space<hbm>> -> memref<8x128xf32, #tpu.memory_space<hbm>>
      %dma_start3A_71 = arith.constant 0 : i32
      %dma_start3A_72 = arith.constant 0 : i32
      %dma_start3A_73 = tpu.memref_slice %arg4[%dma_start3A_64, %add3A_63, %dma_start3A_71, %dma_start3A_72] : memref<2x782x8x128xf32, #tpu.memory_space<hbm>> -> memref<1x1x8x128xf32, #tpu.memory_space<hbm>>
      %dma_start3A_74 = tpu.memref_squeeze %dma_start3A_73 : memref<1x1x8x128xf32, #tpu.memory_space<hbm>> -> memref<8x128xf32, #tpu.memory_space<hbm>>
      %dma_start3A_75 = arith.constant 8 : i32
      %dma_start3A_76 = tpu.memref_slice %arg7[%dma_start3A_75, %mul3A_62] : memref<16x3200xf32, #tpu.memory_space<vmem>> -> memref<8x128xf32, #tpu.memory_space<vmem>>
      tpu.enqueue_dma source(%dma_start3A_76 : memref<8x128xf32, #tpu.memory_space<vmem>>) target(%dma_start3A_74 : memref<8x128xf32, #tpu.memory_space<hbm>>) target_semaphore(%arg8 : memref<!tpu.dma_semaphore, #tpu.memory_space<semaphore_mem>>)
    }
    %while3A_21 = arith.constant 1 : i32
    scf.for %while3A_45 = %while3A_19 to %while3A_15 step %while3A_21  : i32 {
      %mul3A_46 = arith.constant 128 : i32
      %mul3A_47 = arith.muli %while3A_45, %mul3A_46 : i32
      %add3A_48 = arith.addi %mul3A_4, %while3A_45 : i32
      %dma_start3A = arith.constant 0 : i32
      %dma_start3A_49 = arith.constant 0 : i32
      %dma_start3A_50 = tpu.memref_slice %arg7[%dma_start3A_49, %mul3A_47] : memref<16x3200xf32, #tpu.memory_space<vmem>> -> memref<8x128xf32, #tpu.memory_space<vmem>>
      %dma_start3A_51 = arith.constant 0 : i32
      %dma_start3A_52 = arith.constant 0 : i32
      %dma_start3A_53 = tpu.memref_slice %arg4[%dma_start3A, %add3A_48, %dma_start3A_51, %dma_start3A_52] : memref<2x782x8x128xf32, #tpu.memory_space<hbm>> -> memref<1x1x8x128xf32, #tpu.memory_space<hbm>>
      %dma_start3A_54 = tpu.memref_squeeze %dma_start3A_53 : memref<1x1x8x128xf32, #tpu.memory_space<hbm>> -> memref<8x128xf32, #tpu.memory_space<hbm>>
      %dma_start3A_55 = arith.constant 0 : i32
      %dma_start3A_56 = arith.constant 0 : i32
      %dma_start3A_57 = tpu.memref_slice %arg4[%dma_start3A, %add3A_48, %dma_start3A_55, %dma_start3A_56] : memref<2x782x8x128xf32, #tpu.memory_space<hbm>> -> memref<1x1x8x128xf32, #tpu.memory_space<hbm>>
      %dma_start3A_58 = tpu.memref_squeeze %dma_start3A_57 : memref<1x1x8x128xf32, #tpu.memory_space<hbm>> -> memref<8x128xf32, #tpu.memory_space<hbm>>
      %dma_start3A_59 = arith.constant 0 : i32
      %dma_start3A_60 = tpu.memref_slice %arg7[%dma_start3A_59, %mul3A_47] : memref<16x3200xf32, #tpu.memory_space<vmem>> -> memref<8x128xf32, #tpu.memory_space<vmem>>
      tpu.enqueue_dma source(%dma_start3A_60 : memref<8x128xf32, #tpu.memory_space<vmem>>) target(%dma_start3A_58 : memref<8x128xf32, #tpu.memory_space<hbm>>) target_semaphore(%arg8 : memref<!tpu.dma_semaphore, #tpu.memory_space<semaphore_mem>>)
      %mul3A_61 = arith.constant 128 : i32
      %mul3A_62 = arith.muli %while3A_45, %mul3A_61 : i32
      %add3A_63 = arith.addi %mul3A_4, %while3A_45 : i32
      %dma_start3A_64 = arith.constant 1 : i32
      %dma_start3A_65 = arith.constant 8 : i32
      %dma_start3A_66 = tpu.memref_slice %arg7[%dma_start3A_65, %mul3A_62] : memref<16x3200xf32, #tpu.memory_space<vmem>> -> memref<8x128xf32, #tpu.memory_space<vmem>>
      %dma_start3A_67 = arith.constant 0 : i32
      %dma_start3A_68 = arith.constant 0 : i32
      %dma_start3A_69 = tpu.memref_slice %arg4[%dma_start3A_64, %add3A_63, %dma_start3A_67, %dma_start3A_68] : memref<2x782x8x128xf32, #tpu.memory_space<hbm>> -> memref<1x1x8x128xf32, #tpu.memory_space<hbm>>
      %dma_start3A_70 = tpu.memref_squeeze %dma_start3A_69 : memref<1x1x8x128xf32, #tpu.memory_space<hbm>> -> memref<8x128xf32, #tpu.memory_space<hbm>>
      %dma_start3A_71 = arith.constant 0 : i32
      %dma_start3A_72 = arith.constant 0 : i32
      %dma_start3A_73 = tpu.memref_slice %arg4[%dma_start3A_64, %add3A_63, %dma_start3A_71, %dma_start3A_72] : memref<2x782x8x128xf32, #tpu.memory_space<hbm>> -> memref<1x1x8x128xf32, #tpu.memory_space<hbm>>
      %dma_start3A_74 = tpu.memref_squeeze %dma_start3A_73 : memref<1x1x8x128xf32, #tpu.memory_space<hbm>> -> memref<8x128xf32, #tpu.memory_space<hbm>>
      %dma_start3A_75 = arith.constant 8 : i32
      %dma_start3A_76 = tpu.memref_slice %arg7[%dma_start3A_75, %mul3A_62] : memref<16x3200xf32, #tpu.memory_space<vmem>> -> memref<8x128xf32, #tpu.memory_space<vmem>>
      tpu.enqueue_dma source(%dma_start3A_76 : memref<8x128xf32, #tpu.memory_space<vmem>>) target(%dma_start3A_74 : memref<8x128xf32, #tpu.memory_space<hbm>>) target_semaphore(%arg8 : memref<!tpu.dma_semaphore, #tpu.memory_space<semaphore_mem>>)
    }
    %min3A_22 = arith.constant 12 : i32
    %min3A_23 = arith.minsi %select_n3A, %min3A_22 : i32
    %while3A_24 = arith.constant 0 : i32
    %while3A_25 = arith.subi %select_n3A, %min3A_23 : i32
    %while3A_26 = arith.addi %min3A_23, %while3A_25 : i32
    %while3A_27 = arith.constant 1 : i32
    %while3A_28 = arith.divsi %while3A_25, %while3A_27 : i32
    %while3A_29 = arith.muli %while3A_28, %while3A_27 : i32
    %while3A_30 = arith.addi %min3A_23, %while3A_29 : i32
    %while3A_31 = arith.constant 1 : i32
    scf.for %while3A_45 = %min3A_23 to %while3A_30 step %while3A_31  : i32 {
      %mul3A_46 = arith.constant 128 : i32
      %mul3A_47 = arith.muli %while3A_45, %mul3A_46 : i32
      %add3A_48 = arith.addi %mul3A_4, %while3A_45 : i32
      %dma_start3A = arith.constant 0 : i32
      %dma_start3A_49 = arith.constant 0 : i32
      %dma_start3A_50 = tpu.memref_slice %arg7[%dma_start3A_49, %mul3A_47] : memref<16x3200xf32, #tpu.memory_space<vmem>> -> memref<8x128xf32, #tpu.memory_space<vmem>>
      %dma_start3A_51 = arith.constant 0 : i32
      %dma_start3A_52 = arith.constant 0 : i32
      %dma_start3A_53 = tpu.memref_slice %arg4[%dma_start3A, %add3A_48, %dma_start3A_51, %dma_start3A_52] : memref<2x782x8x128xf32, #tpu.memory_space<hbm>> -> memref<1x1x8x128xf32, #tpu.memory_space<hbm>>
      %dma_start3A_54 = tpu.memref_squeeze %dma_start3A_53 : memref<1x1x8x128xf32, #tpu.memory_space<hbm>> -> memref<8x128xf32, #tpu.memory_space<hbm>>
      %dma_start3A_55 = arith.constant 0 : i32
      %dma_start3A_56 = arith.constant 0 : i32
      %dma_start3A_57 = tpu.memref_slice %arg4[%dma_start3A, %add3A_48, %dma_start3A_55, %dma_start3A_56] : memref<2x782x8x128xf32, #tpu.memory_space<hbm>> -> memref<1x1x8x128xf32, #tpu.memory_space<hbm>>
      %dma_start3A_58 = tpu.memref_squeeze %dma_start3A_57 : memref<1x1x8x128xf32, #tpu.memory_space<hbm>> -> memref<8x128xf32, #tpu.memory_space<hbm>>
      %dma_start3A_59 = arith.constant 0 : i32
      %dma_start3A_60 = tpu.memref_slice %arg7[%dma_start3A_59, %mul3A_47] : memref<16x3200xf32, #tpu.memory_space<vmem>> -> memref<8x128xf32, #tpu.memory_space<vmem>>
      tpu.enqueue_dma source(%dma_start3A_60 : memref<8x128xf32, #tpu.memory_space<vmem>>) target(%dma_start3A_58 : memref<8x128xf32, #tpu.memory_space<hbm>>) target_semaphore(%arg8 : memref<!tpu.dma_semaphore, #tpu.memory_space<semaphore_mem>>)
      %mul3A_61 = arith.constant 128 : i32
      %mul3A_62 = arith.muli %while3A_45, %mul3A_61 : i32
      %add3A_63 = arith.addi %mul3A_4, %while3A_45 : i32
      %dma_start3A_64 = arith.constant 1 : i32
      %dma_start3A_65 = arith.constant 8 : i32
      %dma_start3A_66 = tpu.memref_slice %arg7[%dma_start3A_65, %mul3A_62] : memref<16x3200xf32, #tpu.memory_space<vmem>> -> memref<8x128xf32, #tpu.memory_space<vmem>>
      %dma_start3A_67 = arith.constant 0 : i32
      %dma_start3A_68 = arith.constant 0 : i32
      %dma_start3A_69 = tpu.memref_slice %arg4[%dma_start3A_64, %add3A_63, %dma_start3A_67, %dma_start3A_68] : memref<2x782x8x128xf32, #tpu.memory_space<hbm>> -> memref<1x1x8x128xf32, #tpu.memory_space<hbm>>
      %dma_start3A_70 = tpu.memref_squeeze %dma_start3A_69 : memref<1x1x8x128xf32, #tpu.memory_space<hbm>> -> memref<8x128xf32, #tpu.memory_space<hbm>>
      %dma_start3A_71 = arith.constant 0 : i32
      %dma_start3A_72 = arith.constant 0 : i32
      %dma_start3A_73 = tpu.memref_slice %arg4[%dma_start3A_64, %add3A_63, %dma_start3A_71, %dma_start3A_72] : memref<2x782x8x128xf32, #tpu.memory_space<hbm>> -> memref<1x1x8x128xf32, #tpu.memory_space<hbm>>
      %dma_start3A_74 = tpu.memref_squeeze %dma_start3A_73 : memref<1x1x8x128xf32, #tpu.memory_space<hbm>> -> memref<8x128xf32, #tpu.memory_space<hbm>>
      %dma_start3A_75 = arith.constant 8 : i32
      %dma_start3A_76 = tpu.memref_slice %arg7[%dma_start3A_75, %mul3A_62] : memref<16x3200xf32, #tpu.memory_space<vmem>> -> memref<8x128xf32, #tpu.memory_space<vmem>>
      tpu.enqueue_dma source(%dma_start3A_76 : memref<8x128xf32, #tpu.memory_space<vmem>>) target(%dma_start3A_74 : memref<8x128xf32, #tpu.memory_space<hbm>>) target_semaphore(%arg8 : memref<!tpu.dma_semaphore, #tpu.memory_space<semaphore_mem>>)
    }
    %while3A_32 = arith.constant 1 : i32
    scf.for %while3A_45 = %while3A_30 to %while3A_26 step %while3A_32  : i32 {
      %mul3A_46 = arith.constant 128 : i32
      %mul3A_47 = arith.muli %while3A_45, %mul3A_46 : i32
      %add3A_48 = arith.addi %mul3A_4, %while3A_45 : i32
      %dma_start3A = arith.constant 0 : i32
      %dma_start3A_49 = arith.constant 0 : i32
      %dma_start3A_50 = tpu.memref_slice %arg7[%dma_start3A_49, %mul3A_47] : memref<16x3200xf32, #tpu.memory_space<vmem>> -> memref<8x128xf32, #tpu.memory_space<vmem>>
      %dma_start3A_51 = arith.constant 0 : i32
      %dma_start3A_52 = arith.constant 0 : i32
      %dma_start3A_53 = tpu.memref_slice %arg4[%dma_start3A, %add3A_48, %dma_start3A_51, %dma_start3A_52] : memref<2x782x8x128xf32, #tpu.memory_space<hbm>> -> memref<1x1x8x128xf32, #tpu.memory_space<hbm>>
      %dma_start3A_54 = tpu.memref_squeeze %dma_start3A_53 : memref<1x1x8x128xf32, #tpu.memory_space<hbm>> -> memref<8x128xf32, #tpu.memory_space<hbm>>
      %dma_start3A_55 = arith.constant 0 : i32
      %dma_start3A_56 = arith.constant 0 : i32
      %dma_start3A_57 = tpu.memref_slice %arg4[%dma_start3A, %add3A_48, %dma_start3A_55, %dma_start3A_56] : memref<2x782x8x128xf32, #tpu.memory_space<hbm>> -> memref<1x1x8x128xf32, #tpu.memory_space<hbm>>
      %dma_start3A_58 = tpu.memref_squeeze %dma_start3A_57 : memref<1x1x8x128xf32, #tpu.memory_space<hbm>> -> memref<8x128xf32, #tpu.memory_space<hbm>>
      %dma_start3A_59 = arith.constant 0 : i32
      %dma_start3A_60 = tpu.memref_slice %arg7[%dma_start3A_59, %mul3A_47] : memref<16x3200xf32, #tpu.memory_space<vmem>> -> memref<8x128xf32, #tpu.memory_space<vmem>>
      tpu.enqueue_dma source(%dma_start3A_60 : memref<8x128xf32, #tpu.memory_space<vmem>>) target(%dma_start3A_58 : memref<8x128xf32, #tpu.memory_space<hbm>>) target_semaphore(%arg8 : memref<!tpu.dma_semaphore, #tpu.memory_space<semaphore_mem>>)
      %mul3A_61 = arith.constant 128 : i32
      %mul3A_62 = arith.muli %while3A_45, %mul3A_61 : i32
      %add3A_63 = arith.addi %mul3A_4, %while3A_45 : i32
      %dma_start3A_64 = arith.constant 1 : i32
      %dma_start3A_65 = arith.constant 8 : i32
      %dma_start3A_66 = tpu.memref_slice %arg7[%dma_start3A_65, %mul3A_62] : memref<16x3200xf32, #tpu.memory_space<vmem>> -> memref<8x128xf32, #tpu.memory_space<vmem>>
      %dma_start3A_67 = arith.constant 0 : i32
      %dma_start3A_68 = arith.constant 0 : i32
      %dma_start3A_69 = tpu.memref_slice %arg4[%dma_start3A_64, %add3A_63, %dma_start3A_67, %dma_start3A_68] : memref<2x782x8x128xf32, #tpu.memory_space<hbm>> -> memref<1x1x8x128xf32, #tpu.memory_space<hbm>>
      %dma_start3A_70 = tpu.memref_squeeze %dma_start3A_69 : memref<1x1x8x128xf32, #tpu.memory_space<hbm>> -> memref<8x128xf32, #tpu.memory_space<hbm>>
      %dma_start3A_71 = arith.constant 0 : i32
      %dma_start3A_72 = arith.constant 0 : i32
      %dma_start3A_73 = tpu.memref_slice %arg4[%dma_start3A_64, %add3A_63, %dma_start3A_71, %dma_start3A_72] : memref<2x782x8x128xf32, #tpu.memory_space<hbm>> -> memref<1x1x8x128xf32, #tpu.memory_space<hbm>>
      %dma_start3A_74 = tpu.memref_squeeze %dma_start3A_73 : memref<1x1x8x128xf32, #tpu.memory_space<hbm>> -> memref<8x128xf32, #tpu.memory_space<hbm>>
      %dma_start3A_75 = arith.constant 8 : i32
      %dma_start3A_76 = tpu.memref_slice %arg7[%dma_start3A_75, %mul3A_62] : memref<16x3200xf32, #tpu.memory_space<vmem>> -> memref<8x128xf32, #tpu.memory_space<vmem>>
      tpu.enqueue_dma source(%dma_start3A_76 : memref<8x128xf32, #tpu.memory_space<vmem>>) target(%dma_start3A_74 : memref<8x128xf32, #tpu.memory_space<hbm>>) target_semaphore(%arg8 : memref<!tpu.dma_semaphore, #tpu.memory_space<semaphore_mem>>)
    }
    %mul3A_33 = arith.constant 2 : i32
    %mul3A_34 = arith.muli %select_n3A, %mul3A_33 : i32
    %while3A_35 = arith.constant 0 : i32
    %while3A_36 = arith.constant 0 : i32
    %while3A_37 = arith.subi %mul3A_34, %while3A_36 : i32
    %while3A_38 = arith.addi %while3A_36, %while3A_37 : i32
    %while3A_39 = arith.constant 1 : i32
    %while3A_40 = arith.divsi %while3A_37, %while3A_39 : i32
    %while3A_41 = arith.muli %while3A_40, %while3A_39 : i32
    %while3A_42 = arith.addi %while3A_36, %while3A_41 : i32
    %while3A_43 = arith.constant 1 : i32
    scf.for %while3A_45 = %while3A_36 to %while3A_42 step %while3A_43  : i32 {
      %dma_wait3A = arith.constant 0 : i32
      %dma_wait3A_46 = arith.constant 0 : i32
      %dma_wait3A_47 = arith.constant 0 : i32
      %dma_wait3A_48 = arith.constant 0 : i32
      %dma_wait3A_49 = tpu.memref_slice %arg7[%dma_wait3A_47, %dma_wait3A_48] : memref<16x3200xf32, #tpu.memory_space<vmem>> -> memref<8x128xf32, #tpu.memory_space<vmem>>
      %dma_wait3A_50 = arith.constant 0 : i32
      %dma_wait3A_51 = arith.constant 0 : i32
      %dma_wait3A_52 = tpu.memref_slice %arg4[%dma_wait3A, %dma_wait3A_46, %dma_wait3A_50, %dma_wait3A_51] : memref<2x782x8x128xf32, #tpu.memory_space<hbm>> -> memref<1x1x8x128xf32, #tpu.memory_space<hbm>>
      %dma_wait3A_53 = tpu.memref_squeeze %dma_wait3A_52 : memref<1x1x8x128xf32, #tpu.memory_space<hbm>> -> memref<8x128xf32, #tpu.memory_space<hbm>>
      %dma_wait3A_54 = arith.constant 0 : i32
      %dma_wait3A_55 = arith.constant 0 : i32
      %dma_wait3A_56 = tpu.memref_slice %arg7[%dma_wait3A_54, %dma_wait3A_55] : memref<16x3200xf32, #tpu.memory_space<vmem>> -> memref<8x128xf32, #tpu.memory_space<vmem>>
      %dma_wait3A_57 = arith.constant 0 : i32
      %dma_wait3A_58 = arith.constant 0 : i32
      %dma_wait3A_59 = tpu.memref_slice %arg4[%dma_wait3A, %dma_wait3A_46, %dma_wait3A_57, %dma_wait3A_58] : memref<2x782x8x128xf32, #tpu.memory_space<hbm>> -> memref<1x1x8x128xf32, #tpu.memory_space<hbm>>
      %dma_wait3A_60 = tpu.memref_squeeze %dma_wait3A_59 : memref<1x1x8x128xf32, #tpu.memory_space<hbm>> -> memref<8x128xf32, #tpu.memory_space<hbm>>
      tpu.wait_dma2 semaphore(%arg8 : memref<!tpu.dma_semaphore, #tpu.memory_space<semaphore_mem>>) src(%dma_wait3A_60 : memref<8x128xf32, #tpu.memory_space<hbm>>) dst(%dma_wait3A_56 : memref<8x128xf32, #tpu.memory_space<vmem>>)
    }
    %while3A_44 = arith.constant 1 : i32
    scf.for %while3A_45 = %while3A_42 to %while3A_38 step %while3A_44  : i32 {
      %dma_wait3A = arith.constant 0 : i32
      %dma_wait3A_46 = arith.constant 0 : i32
      %dma_wait3A_47 = arith.constant 0 : i32
      %dma_wait3A_48 = arith.constant 0 : i32
      %dma_wait3A_49 = tpu.memref_slice %arg7[%dma_wait3A_47, %dma_wait3A_48] : memref<16x3200xf32, #tpu.memory_space<vmem>> -> memref<8x128xf32, #tpu.memory_space<vmem>>
      %dma_wait3A_50 = arith.constant 0 : i32
      %dma_wait3A_51 = arith.constant 0 : i32
      %dma_wait3A_52 = tpu.memref_slice %arg4[%dma_wait3A, %dma_wait3A_46, %dma_wait3A_50, %dma_wait3A_51] : memref<2x782x8x128xf32, #tpu.memory_space<hbm>> -> memref<1x1x8x128xf32, #tpu.memory_space<hbm>>
      %dma_wait3A_53 = tpu.memref_squeeze %dma_wait3A_52 : memref<1x1x8x128xf32, #tpu.memory_space<hbm>> -> memref<8x128xf32, #tpu.memory_space<hbm>>
      %dma_wait3A_54 = arith.constant 0 : i32
      %dma_wait3A_55 = arith.constant 0 : i32
      %dma_wait3A_56 = tpu.memref_slice %arg7[%dma_wait3A_54, %dma_wait3A_55] : memref<16x3200xf32, #tpu.memory_space<vmem>> -> memref<8x128xf32, #tpu.memory_space<vmem>>
      %dma_wait3A_57 = arith.constant 0 : i32
      %dma_wait3A_58 = arith.constant 0 : i32
      %dma_wait3A_59 = tpu.memref_slice %arg4[%dma_wait3A, %dma_wait3A_46, %dma_wait3A_57, %dma_wait3A_58] : memref<2x782x8x128xf32, #tpu.memory_space<hbm>> -> memref<1x1x8x128xf32, #tpu.memory_space<hbm>>
      %dma_wait3A_60 = tpu.memref_squeeze %dma_wait3A_59 : memref<1x1x8x128xf32, #tpu.memory_space<hbm>> -> memref<8x128xf32, #tpu.memory_space<hbm>>
      tpu.wait_dma2 semaphore(%arg8 : memref<!tpu.dma_semaphore, #tpu.memory_space<semaphore_mem>>) src(%dma_wait3A_60 : memref<8x128xf32, #tpu.memory_space<hbm>>) dst(%dma_wait3A_56 : memref<8x128xf32, #tpu.memory_space<vmem>>)
    }
    return
  }
}

module attributes {stable_mosaic.version = 14 : i64} {
  func.func @_project_body(%arg0: memref<1024x4xf32, #tpu.memory_space<vmem>>, %arg1: memref<16x4xf32, #tpu.memory_space<vmem>>, %arg2: memref<16x1024xf32, #tpu.memory_space<vmem>>) attributes {dimension_semantics = [], scalar_prefetch = 0 : i64, scratch_operands = 0 : i64, tpu.core_type = #tpu.core_type<tc>} {
    %get3A = arith.constant 0 : index
    %get3A_0 = arith.constant 0 : index
    %get3A_1 = vector.load %arg1[%get3A, %get3A_0] : memref<16x4xf32, #tpu.memory_space<vmem>>, vector<16x4xf32>
    %slice3A = vector.extract_strided_slice %get3A_1 {offsets = [0, 0], sizes = [16, 1], strides = [1, 1]} : vector<16x4xf32> to vector<16x1xf32>
    %slice3A_2 = vector.extract_strided_slice %get3A_1 {offsets = [0, 2], sizes = [16, 1], strides = [1, 1]} : vector<16x4xf32> to vector<16x1xf32>
    %slice3A_3 = vector.extract_strided_slice %get3A_1 {offsets = [0, 3], sizes = [16, 1], strides = [1, 1]} : vector<16x4xf32> to vector<16x1xf32>
    %slice3A_4 = vector.extract_strided_slice %get3A_1 {offsets = [0, 1], sizes = [16, 1], strides = [1, 1]} : vector<16x4xf32> to vector<16x1xf32>
    %concatenate3A = tpu.concatenate %slice3A, %slice3A_2, %slice3A_3, %slice3A_4 in 1 : vector<16x1xf32>, vector<16x1xf32>, vector<16x1xf32>, vector<16x1xf32> -> vector<16x4xf32>
    %get3A_5 = arith.constant 0 : index
    %get3A_6 = arith.constant 0 : index
    %get3A_7 = vector.load %arg0[%get3A_5, %get3A_6] : memref<1024x4xf32, #tpu.memory_space<vmem>>, vector<1024x4xf32>
    %dot_general3A = arith.constant dense<0.000000e+00> : vector<16x1024xf32>
    %dot_general3A_8 = tpu.matmul %concatenate3A, %get3A_7, %dot_general3A {dimension_numbers = #tpu.dot_dimension_numbers<[1], [1], [0], [0], [0, 0, 1, 0], [], []>, transpose_lhs_hint = false} : vector<16x4xf32>, vector<1024x4xf32>, vector<16x1024xf32> -> vector<16x1024xf32>
    %swap3A = arith.constant 0 : index
    %swap3A_9 = arith.constant 0 : index
    %swap3A_10 = vector.load %arg2[%swap3A, %swap3A_9] : memref<16x1024xf32, #tpu.memory_space<vmem>>, vector<16x1024xf32>
    tpu.vector_store %arg2[%swap3A, %swap3A_9], %dot_general3A_8 {strides = array<i32>} : memref<16x1024xf32, #tpu.memory_space<vmem>>, vector<16x1024xf32>,
    return
  }
}

</mosaic_0001>

<sc_bundles>
// kernel: kernel.4.cloned.1.call-start
scs
__scs_entry_jumppad:
0x0: {  	(pc) =	sbr.rel $0x88, $3  }
0x1: {  	(tag) =	ssettag $0x0;
	lr =	simm.s32 $0x1  }
0x2: {  	[smem:$0x3F9E] =	sst lr;
	_ =	strace $0xD0000000  }
0x3: {  	_ = 	snop  }
0x4: {  	_ = 	snop  }
0x5: {  	_ = 	snop  }
0x6: {  	_ = 	snop  }
0x7: {  	_ = 	snop  }
__scs_overlays_trampoline_lowered:
0x8: {  	[smem:$0x3FAD] =	sst s0  }
0x9: {  	[smem:$0x3FAE] =	sst s1  }
0xa: {  	[smem:$0x3FAF] =	sst s2  }
0xb: {  	[smem:$0x3FB0] =	sst s3  }
0xc: {  	[smem:$0x3FB1] =	sst s4  }
0xd: {  	[smem:$0x3FB2] =	sst s5  }
0xe: {  	[smem:$0x3FB3] =	sst s6  }
0xf: {  	[smem:$0x3FB4] =	sst s7  }
0x10: {  	[smem:$0x3FB5] =	sst s8  }
0x11: {  	[smem:$0x3FB6] =	sst s9;
	s0 =	simm.s32 @!p0 $0x0  }
0x12: {  	s1 =	sld [smem:$0x3F9C];
	s0 =	simm.s32 @p0 $0x1  }
0x13: {  	[smem:$0x3FB7] =	sst s0;
	s0 =	simm.s32 @!p1 $0x0  }
0x14: {  	s2 =	sld [smem:$0x3F9B];
	s0 =	simm.s32 @p1 $0x1  }
0x15: {  	[smem:$0x3FB8] =	sst s0;
	s0 =	simm.s32 @!p2 $0x0  }
0x16: {  	s3 =	sld [smem:$0x3FDB];
	s0 =	simm.s32 @p2 $0x1  }
0x17: {  	s4 =	simm.s32 $0x1BF5;
	[smem:$0x3FBA] =	sst s0  }
0x18: {  	s0 =	sld [smem:$0x3F9D];
	_ =	swait.ge [sflag:s4], $0x0  }
0x19: {  	s7 =	sld [smem:$0x3F9E]  }
0x1a: {  	s8 =	sadd.s32 $0xFFFFE003, lr  }
0x1b: {  	s9 =	sadd.s32 $0xFFFFFEF7, lr;
	s5 =	simm.s32 $0xFFFFFFFF;
	p2 =	slt.u32 s8, $0xFFFFF086  }
0x1c: {  	p1 =	slt.u32 s9, $0xF7A;
	s5 =	simm.s32 @!p2 $0x0  }
0x1d: {  	s5 =	simm.s32 @p1 $0x1;
	p0 =	seq.s32 s7, s2  }
0x1e: {  	s7 =	smul.u32 @!p0 $0xF7A, s2;
	p2 =	seq.s32 @!p0 s5, $0x0  }
0x1f: {  	s9 =	smul.u32 $0xF7A, s1;
	s8 =	simm.s32 @!p0 $0x1BF5;
	p2 =	por !p2, p0  }
0x20: {  	[sflag:s8] =	ssyncset.s32 @!p0 $0xFFFFF086;
	s6 =	sadd.s32 @!p0 s3, s7;
	s7 =	simm.s32 @!p0 $0x108  }
0x21: {  	s3 =	sadd.s32 s3, s9;
	s6 =	sadd.s32 @!p0 $0x88, s6;
	s7 =	simm.s32 @p2 $0x1082  }
0x22: {  	[simem:s7], [sflag:s8] =	dma.local @!p0 [hbm:s6], $0xF7A  }
0x23: {  	s9 =	sor.u32 $0xD0000000, s2;
	s6 =	simm.s32 $0x108;
	_ =	swait.ge @!p0 [sflag:s8], $0x0  }
0x24: {  	s3 =	sadd.s32 $0x88, s3;
	s6 =	simm.s32 @!p1 $0x1082;
	[sflag:s4] =	ssyncset.s32 $0xFFFFF086  }
0x25: {  	[simem:s6], [sflag:s4] =	dma.local [hbm:s3], $0xF7A  }
0x26: {  	[smem:$0x3F9E] =	sst s1;
	(tag) =	ssettag s2;
	_ =	strace s9  }
0x27: {  	s1 =	sld [smem:$0x3FAE]  }
0x28: {  	s2 =	sld [smem:$0x3FAF]  }
0x29: {  	s4 =	sld [smem:$0x3FB1]  }
0x2a: {  	p0 =	seq.s32 s5, $0x0;
	s5 =	sld [smem:$0x3FB2]  }
0x2b: {  	s6 =	sld [smem:$0x3FB3]  }
0x2c: {  	s7 =	sld [smem:$0x3FB4]  }
0x2d: {  	s3 =	simm.s32 $0x108;
	s8 =	sld [smem:$0x3FB5]  }
0x2e: {  	s3 =	simm.s32 @!p0 $0x1082;
	s9 =	sld [smem:$0x3FB6]  }
0x2f: {  	lr =	sadd.s32 s0, s3;
	s0 =	sld [smem:$0x3FAD]  }
0x30: {  	s3 =	sld [smem:$0x3FB0]  }
0x31: {  	[smem:$0x3FB9] =	sst s10  }
0x32: {  	s10 =	sld [smem:$0x3FB7];
	_ =	sdelay $0x3  }
0x33: {  	p0 =	seq.s32 s10, $0x1;
	s10 =	sld [smem:$0x3FB9];
	_ =	sdelay $0x3  }
0x34: {  	[smem:$0x3FB9] =	sst s10  }
0x35: {  	s10 =	sld [smem:$0x3FB8];
	_ =	sdelay $0x3  }
0x36: {  	p1 =	seq.s32 s10, $0x1;
	s10 =	sld [smem:$0x3FB9];
	_ =	sdelay $0x3  }
0x37: {  	[smem:$0x3FB9] =	sst s10  }
0x38: {  	s10 =	sld [smem:$0x3FBA]  }
0x39: {  	_ = 	snop;
	(pc) =	sbr.ind lr, $3  }
0x3a: {  	_ = 	snop  }
0x3b: {  	_ = 	snop  }
0x3c: {  	p2 =	seq.s32 s10, $0x1;
	s10 =	sld [smem:$0x3FB9]  }
0x3d: {  	_ =	shalt  }
0x3e: {  	_ =	shalt  }
0x3f: {  	_ =	shalt  }
0x40: {  	_ =	shalt  }
0x41: {  	_ =	shalt  }
0x42: {  	_ =	shalt  }
0x43: {  	_ =	shalt  }
0x44: {  	_ =	shalt  }
0x45: {  	_ =	shalt  }
0x46: {  	_ =	shalt  }
0x47: {  	_ =	shalt  }
0x48: {  	_ =	shalt  }
0x49: {  	_ =	shalt  }
0x4a: {  	_ =	shalt  }
0x4b: {  	_ =	shalt  }
0x4c: {  	_ =	shalt  }
0x4d: {  	_ =	shalt  }
0x4e: {  	_ =	shalt  }
0x4f: {  	_ =	shalt  }
0x50: {  	_ =	shalt  }
0x51: {  	_ =	shalt  }
0x52: {  	_ =	shalt  }
0x53: {  	_ =	shalt  }
0x54: {  	_ =	shalt  }
0x55: {  	_ =	shalt  }
0x56: {  	_ =	shalt  }
0x57: {  	_ =	shalt  }
0x58: {  	_ =	shalt  }
0x59: {  	_ =	shalt  }
0x5a: {  	_ =	shalt  }
0x5b: {  	_ =	shalt  }
0x5c: {  	_ =	shalt  }
0x5d: {  	_ =	shalt  }
0x5e: {  	_ =	shalt  }
0x5f: {  	_ =	shalt  }
0x60: {  	_ =	shalt  }
0x61: {  	_ =	shalt  }
0x62: {  	_ =	shalt  }
0x63: {  	_ =	shalt  }
0x64: {  	_ =	shalt  }
0x65: {  	_ =	shalt  }
0x66: {  	_ =	shalt  }
0x67: {  	_ =	shalt  }
0x68: {  	_ =	shalt  }
0x69: {  	_ =	shalt  }
0x6a: {  	_ =	shalt  }
0x6b: {  	_ =	shalt  }
0x6c: {  	_ =	shalt  }
0x6d: {  	_ =	shalt  }
0x6e: {  	_ =	shalt  }
0x6f: {  	_ =	shalt  }
0x70: {  	_ =	shalt  }
0x71: {  	_ =	shalt  }
0x72: {  	_ =	shalt  }
0x73: {  	_ =	shalt  }
0x74: {  	_ =	shalt  }
0x75: {  	_ =	shalt  }
0x76: {  	_ =	shalt  }
0x77: {  	_ =	shalt  }
0x78: {  	_ =	shalt  }
0x79: {  	_ =	shalt  }
0x7a: {  	_ =	shalt  }
0x7b: {  	_ =	shalt  }
0x7c: {  	_ =	shalt  }
0x7d: {  	_ =	shalt  }
0x7e: {  	_ =	shalt  }
0x7f: {  	_ =	shalt  }
0x80: {  	_ =	shalt  }
0x81: {  	_ =	shalt  }
0x82: {  	_ =	shalt  }
0x83: {  	_ =	shalt  }
0x84: {  	_ =	shalt  }
0x85: {  	_ =	shalt  }
0x86: {  	_ =	shalt  }
0x87: {  	_ =	shalt  }
.Lfunc_end0:
.L_simem_size_0:
called_computation_lowered:
.L_overlay_start_0:
0x88: {  	s2 =	sld [smem:$0x3FD9]  }
0x89: {  	s3 =	sld [smem:$0x3FFE];
	_ =	sdelay $0x1  }
0x8a: {  	s1 =	srdreg.scid  }
0x8b: {  	s0 =	sand.u32 $0x1, s1  }
0x8c: {  	s17 =	sshll.u32 s0, $0xA;
	s2 =	sadd.s32 s3, s2  }
0x8d: {  	s2 =	sadd.s32 s2, s17  }
0x8e: {  	[smem:$0x3FC5] =	sst s2  }
0x8f: {  	_ = 	snop  }
0x90: {  	s2 =	sld [smem:$0x3FC9]  }
0x91: {  	s18 =	sld [smem:$0x3FD0];
	(tm) =	ssettm $0x1  }
0x92: {  	s4 =	sld [smem:$0x3FFB];
	_ =	sdelay $0x3  }
0x93: {  	_ =	strace s4  }
0x94: {  	s4 =	sld [smem:$0x3FFC];
	_ =	sdelay $0x3  }
0x95: {  	_ =	strace s4  }
0x96: {  	s4 =	sld [smem:$0x3FFD];
	_ =	sdelay $0x3  }
0x97: {  	_ =	strace s4  }
0x98: {  	_ =	strace $0x8FFFFFFF  }
0x99: {  	s19 =	sld [smem:$0x3FDB];
	_ =	sdelay $0x1  }
0x9a: {  	s5 =	simm.s32 $_scs_section_size  }
0x9b: {  	s6 =	simm.s32 $_size__tile_overlayer_lowered;
	s7 =	simm.s32 $_tile_overlayer_lowered  }
0x9c: {  	s22 =	simm.s32 $0x1BFF;
	s21 =	sshll.u32 s7, $0x1;
	s4 =	sadd.s32 s5, s19  }
0x9d: {  	s8 =	simm.s32 $0x0;
	s20 =	sshll.u32 s6, $0x1;
	s6 =	sadd.s32 s21, s4  }
0x9e: {  	[timem:s8], [sflag:s22] =	dma.local [hbm:s6], s20  }
0x9f: {  	_ =	swait.ge [sflag:s22], s20  }
0xa0: {  	s5 =	ssub.s32 $0x0, s20;
	[sflag:s22] =	ssyncset.done $0x0  }
0xa1: {  	[sflag:s22] =	ssyncadd.s32 s5;
	_ =	sdelay $0x1  }
0xa2: {  	s23 =	simm.s32 $0x1B8B  }
0xa3: {  	_ =	swait.ge [sflag:s23], $0x1  }
0xa4: {  	[sflag:s23] =	ssyncset.done $0x0  }
0xa5: {  	s25 =	simm.s32 $0x1B8E;
	s24 =	sld [smem:$0x3FFE];
	[sflag:s23] =	ssyncadd.s32 $0xFFFFFFFF  }
0xa6: {  	s26 =	simm.s32 $execute0_lowered;
	[smem:$0x3FD2] =	sst s25  }
0xa7: {  	s6 =	sshll.u32 s26, $0x1;
	_ =	strace $0x80000046;
	[dreg:$0x1] =	wrdreg $0xFFFFFFFF  }
0xa8: {  	s28 =	simm.s32 $_size_execute0_lowered;
	s4 =	sadd.s32 s4, s6;
	[dreg:$0x0] =	wrdreg $0x0  }
0xa9: {  	s6 =	sshll.u32 s28, $0x1;
	[dreg:$0x2] =	wrdreg s4  }
0xaa: {  	[dreg:$0x3] =	wrdreg s6  }
0xab: {  	[dreg:$0x4] =	wrdreg $0xC0  }
0xac: {  	_ =	task [dreg:s8], $0x5FFFF  }
0xad: {  	[dreg:$0x1] =	wrdreg $0xFFFFFFFF  }
0xae: {  	[dreg:$0x0] =	wrdreg $0x60  }
0xaf: {  	[dreg:$0x2] =	wrdreg s24  }
0xb0: {  	[dreg:$0x3] =	wrdreg s2  }
0xb1: {  	[dreg:$0x4] =	wrdreg s18  }
0xb2: {  	[dreg:$0x5] =	wrdreg $0x9  }
0xb3: {  	_ =	task.clear_ibuf [dreg:s8], $0x6FFFF;
	_ =	strace $0x90000046  }
0xb4: {  	s29 =	simm.s32 $0x9;
	_ =	strace $0x80000048  }
0xb5: {  	_ =	swait.ge [sflag:s29], $0x1  }
0xb6: {  	[sflag:s29] =	ssyncadd.s32 $0xFFFFFFFF  }
0xb7: {  	_ =	strace $0x90000048  }
0xb8: {  	_ =	sfence  }
0xb9: {  	s30 =	sld [smem:$0x0];
	_ =	sdelay $0x2  }
0xba: {  	s31 =	sshll.u32 s1, $0xD;
	s1 =	sshrl.u32 s1, $0x2  }
0xbb: {  	s3 =	sand.u32 $0x4000, s31;
	s1 =	sadd.s32 s1, s30  }
0xbc: {  	s0 =	sor.u32 s3, s0;
	s1 =	sshll.u32 s1, $0x11  }
0xbd: {  	s0 =	sor.u32 s1, s0  }
0xbe: {  	s0 =	sadd.s32 $0x8F2B, s0  }
0xbf: {  	[sflag:s0] =	ssyncadd.remote.s32 $0x1  }
0xc0: {  	_ =	sfence.sel $0xFFFF  }
0xc1: {  	[dreg:$0x0] =	wrdreg $0xFFFFFFFF;
	(pc) =	sbr.abs _section_cstart, $3  }
0xc2: {  	[dreg:$0x1] =	wrdreg $0xFFFFFFFF  }
0xc3: {  	_ =	task.clear_ibuf [dreg:s8], $0x2FFFF;
	_ =	strace $0x9FFFFFFF  }
0xc4: {  	(tm) =	ssettm $0x7FFFFFFF  }
0xc5: {  	_ =	shalt  }
tec
execute0_lowered:
.L_overlay_start_1:
0x0: {  	(tag) =	ssettag $0x1  }
0x1: {  	s3 =	rddreg [dreg:$0x0]  }
0x2: {  	s5 =	rddreg [dreg:$0x1]  }
0x3: {  	s12 =	rddreg [dreg:$0x2]  }
0x4: {  	s0 =	rddreg [dreg:$0x3];
	s4 =	srdreg.scid  }
0x5: {  	s2 =	simm.s32 $0x0;
	s1 =	stileid.u32;
	s16 =	simm.s32 $0x2  }
0x6: {  	s17 =	simm.s32 $0x0;
	s9 =	sand.u32 $0x1, s4;
	[smem:$0x7FF] =	sst s2  }
0x7: {  	s6 =	sshll.u32 s1, $0x1;
	s3 =	sadd.s32 $0x400, s3;
	s8 =	smul.u32 $0xC800, s1  }
0x8: {  	s13 =	smul.u32 $0x32, s1;
	s4 =	ssub.s32 $0x2, s9;
	_ =	strace $0x80000047  }
0x9: {  	s6 =	sor.u32 s9, s6;
	s10 =	smul.u32 $0x6400, s9;
	s7 =	sshrl.u32 s4, $0x1  }
0xa: {  	s28 =	smul.u32 $0x190, s6;
	p0 =	seq.s32 s6, $0x1F;
	s6 =	simm.s32 $0x7  }
0xb: {  	s15 =	smul.u32 $0x19, s9;
	s7 =	ssub.s32 s4, s7;
	s6 =	simm.s32 @!p0 $0x19  }
0xc: {  	s10 =	sadd.s32 s10, s8;
	s4 =	sadd.s32 s5, s28;
	s5 =	sadd.s32 $0x3070, s5  }
0xd: {  	s11 =	smin.u32 s6, $0xC;
	s6 =	sshll.u32 s6, $0x1;
	s7 =	smax.u32 s7, $0x1  }
0xe: {  	s14 =	sadd.s32 $0xC3800, s10;
	s29 =	sshrl.u32 s10, $0x3;
	s8 =	sshll.u32 s11, $0x9  }
0xf: {  	s30 =	sshrl.u32 s14, $0x3;
	s13 =	sadd.s32 s13, s11;
	s9 =	sadd.s32 s29, s12  }
0x10: {  	s11 =	sadd.s32 $0xFFFFFFFF, s11;
	s14 =	simm.s32 $0x4000;
	s13 =	sadd.s32 s15, s13  }
0x11: {  	s10 =	sadd.s32 s30, s12;
	s31 =	sshrl.u32 s8, $0x2;
	s13 =	sshll.u32 s13, $0x7  }
0x12: {  	v0 =	vimm.s32 $0x0;
	s15 =	simm.s32 $0x1;
	s12 =	sadd.s32 s13, s12;
	s13 =	sor.u32 $0x10800, s31  }
.LBB2_1:
.Ltmp0:
0x13: {  	(pc) =	sbr.rel @!p0 .LBB2_2-.Ltmp0, $2  }
0x14: {  	_ =	sdelay $0x2  }
0x15: {  	[tilespmem:s2], [sflag:$0x2] =	stream.linear.gather [hbm4b:s3+s2], $0x4000, $0x38;
	[tilespmem:$0x11480] =	vst v63  }
0x16: {  	[tilespmem:s14], [sflag:$0x1] =	stream.linear.gather [hbm4b:s5+s2], $0x320, $0x38;
	[tilespmem:$0x11480] =	vst v63  }
0x17: {  	_ =	swait.ge [sflag:s15], $0x320  }
0x18: {  	[sflag:s15] =	ssyncset.done $0x0  }
0x19: {  	s18 =	simm.s32 $0xCC0;
	s19 =	simm.s32 $0x320;
	[sflag:s15] =	ssyncadd.s32 $0xFFFFFCE0  }
.LBB2_4:
0x1a: {  	p1 =	sne.s32 s18, $0x31C0;
	[tilespmem:s19+$0x4000] =	vst v0;
	s19 =	smov.u32 s18;
	s18 =	sadd.s32 $0x40, s18  }
.Ltmp1:
0x1b: {  	(pc) =	sbr.rel @p1 .LBB2_4-.Ltmp1, $2  }
0x1c: {  	_ =	sdelay $0x2  }
0x1d: {  	s19 =	sshra.s32 s19, $0x2  }
.Ltmp2:
0x1e: {  	(pc) =	sbr.rel .LBB2_6-.Ltmp2, $2  }
0x1f: {  	_ =	sdelay $0x2  }
0x20: {  	[tilespmem:s19+$0x4000] =	vst v0  }
.LBB2_2:
0x21: {  	[tilespmem:s14], [sflag:$0x1] =	stream.linear.gather [hbm4b:s4+s2], $0xC80, $0x38;
	[tilespmem:$0x11480] =	vst v63  }
0x22: {  	_ =	swait.ge [sflag:s15], $0xC80  }
0x23: {  	[sflag:s15] =	ssyncset.done $0x0  }
0x24: {  	[sflag:s15] =	ssyncadd.s32 $0xFFFFF380  }
.LBB2_6:
0x25: {  	p2 =	seq.s32 s8, $0x200  }
.Ltmp3:
0x26: {  	_ = 	snop;
	(pc) =	sbr.rel @p2 .LBB2_9-.Ltmp3, $4  }
0x27: {  	_ = 	snop  }
0x28: {  	_ =	swait.ge [sflag:s16], $0x4000  }
0x29: {  	s18 =	simm.s32 $0x0;
	p1 =	por $0x0, $0x0;
	[sflag:s16] =	ssyncset.done $0x0  }
0x2a: {  	s20 =	smov.u32 s9;
	s19 =	smov.u32 s10;
	[sflag:s16] =	ssyncadd.s32 $0xFFFFC000  }
0x2b: {  	s18 =	simm.s32 $0x4C80  }
0x2c: {  	[hbm4b:s9+s2] =	stream.linear.scatter [tilespmem:s18], [sflag:$0x1], $0x80, $0x38;
	[tilespmem:$0x11480] =	vst v63  }
0x2d: {  	s31 =	simm.s32 $0x5900;
	s19 =	sadd.s32 $0x10, s9  }
0x2e: {  	[hbm4b:s19+s2] =	stream.linear.scatter [tilespmem:s31], [sflag:$0x1], $0x80, $0x38;
	[tilespmem:$0x11480] =	vst v63  }
0x2f: {  	s20 =	sadd.s32 $0x20, s9;
	s19 =	simm.s32 $0x6580  }
0x30: {  	[hbm4b:s20+s2] =	stream.linear.scatter [tilespmem:s19], [sflag:$0x1], $0x80, $0x38;
	[tilespmem:$0x11480] =	vst v63  }
0x31: {  	s21 =	simm.s32 $0x7200;
	s22 =	sadd.s32 $0x30, s9  }
0x32: {  	[hbm4b:s22+s2] =	stream.linear.scatter [tilespmem:s21], [sflag:$0x1], $0x80, $0x38;
	[tilespmem:$0x11480] =	vst v63  }
0x33: {  	s23 =	simm.s32 $0x7E80;
	s24 =	sadd.s32 $0x40, s9  }
0x34: {  	[hbm4b:s24+s2] =	stream.linear.scatter [tilespmem:s23], [sflag:$0x1], $0x80, $0x38;
	[tilespmem:$0x11480] =	vst v63  }
0x35: {  	s25 =	simm.s32 $0x8B00;
	s26 =	sadd.s32 $0x50, s9  }
0x36: {  	[hbm4b:s26+s2] =	stream.linear.scatter [tilespmem:s25], [sflag:$0x1], $0x80, $0x38;
	[tilespmem:$0x11480] =	vst v63  }
0x37: {  	s28 =	simm.s32 $0x9780;
	s29 =	sadd.s32 $0x60, s9  }
0x38: {  	[hbm4b:s29+s2] =	stream.linear.scatter [tilespmem:s28], [sflag:$0x1], $0x80, $0x38;
	[tilespmem:$0x11480] =	vst v63  }
0x39: {  	s30 =	simm.s32 $0xA400;
	s31 =	sadd.s32 $0x70, s9  }
0x3a: {  	[hbm4b:s31+s2] =	stream.linear.scatter [tilespmem:s30], [sflag:$0x1], $0x80, $0x38;
	[tilespmem:$0x11480] =	vst v63  }
0x3b: {  	s19 =	simm.s32 $0xB080  }
0x3c: {  	[hbm4b:s10+s2] =	stream.linear.scatter [tilespmem:s19], [sflag:$0x1], $0x80, $0x38;
	[tilespmem:$0x11480] =	vst v63  }
0x3d: {  	p2 =	seq.s32 s8, $0x400;
	s20 =	simm.s32 $0xBD00;
	s21 =	sadd.s32 $0x10, s10  }
0x3e: {  	[hbm4b:s21+s2] =	stream.linear.scatter [tilespmem:s20], [sflag:$0x1], $0x80, $0x38;
	[tilespmem:$0x11480] =	vst v63  }
0x3f: {  	p1 =	por $0x1, $0x1;
	s22 =	simm.s32 $0xC980;
	s23 =	sadd.s32 $0x20, s10  }
0x40: {  	[hbm4b:s23+s2] =	stream.linear.scatter [tilespmem:s22], [sflag:$0x1], $0x80, $0x38;
	[tilespmem:$0x11480] =	vst v63  }
0x41: {  	s18 =	simm.s32 $0x80;
	s24 =	simm.s32 $0xD600;
	s25 =	sadd.s32 $0x30, s10  }
0x42: {  	[hbm4b:s25+s2] =	stream.linear.scatter [tilespmem:s24], [sflag:$0x1], $0x80, $0x38;
	[tilespmem:$0x11480] =	vst v63  }
0x43: {  	s26 =	simm.s32 $0xE280;
	s28 =	sadd.s32 $0x40, s10;
	s29 =	simm.s32 $0xEF00  }
0x44: {  	[hbm4b:s28+s2] =	stream.linear.scatter [tilespmem:s26], [sflag:$0x1], $0x80, $0x38;
	[tilespmem:$0x11480] =	vst v63  }
.Ltmp4:
0x45: {  	s30 =	simm.s32 $0xFB80;
	s31 =	sadd.s32 $0x60, s10;
	(pc) =	sbr.rel @p2 .LBB2_9-.Ltmp4, $4  }
0x46: {  	s19 =	sadd.s32 $0x80, s10;
	s20 =	sadd.s32 $0x50, s10;
	s21 =	simm.s32 $0x400  }
0x47: {  	[hbm4b:s20+s2] =	stream.linear.scatter [tilespmem:s29], [sflag:$0x1], $0x80, $0x38;
	[tilespmem:$0x11480] =	vst v63  }
0x48: {  	s22 =	simm.s32 $0x10800;
	s23 =	sadd.s32 $0x70, s10;
	s20 =	sadd.s32 $0x80, s9  }
0x49: {  	[hbm4b:s31+s2] =	stream.linear.scatter [tilespmem:s30], [sflag:$0x1], $0x80, $0x38;
	[tilespmem:$0x11480] =	vst v63  }
.LBB2_8:
0x4a: {  	[hbm4b:s23+s2] =	stream.linear.scatter [tilespmem:s22], [sflag:$0x1], $0x80, $0x38;
	[tilespmem:$0x11480] =	vst v63  }
0x4b: {  	s23 =	sshra.s32 s21, $0x2;
	s21 =	sadd.s32 $0x200, s21;
	s22 =	sadd.s32 $0x4C80, s18  }
0x4c: {  	[hbm4b:s20+s2] =	stream.linear.scatter [tilespmem:s22], [sflag:$0x1], $0x80, $0x38;
	[tilespmem:$0x11480] =	vst v63  }
0x4d: {  	s24 =	sadd.s32 $0x10, s20;
	p2 =	seq.s32 s8, s21;
	s22 =	sadd.s32 $0x5900, s18  }
0x4e: {  	[hbm4b:s24+s2] =	stream.linear.scatter [tilespmem:s22], [sflag:$0x1], $0x80, $0x38;
	[tilespmem:$0x11480] =	vst v63  }
0x4f: {  	s25 =	sadd.s32 $0x20, s20;
	s24 =	sadd.s32 $0x6580, s18;
	s22 =	smov.u32 s18  }
0x50: {  	[hbm4b:s25+s2] =	stream.linear.scatter [tilespmem:s24], [sflag:$0x1], $0x80, $0x38;
	[tilespmem:$0x11480] =	vst v63  }
0x51: {  	s18 =	smov.u32 s23;
	s24 =	sadd.s32 $0x7200, s22;
	s25 =	sadd.s32 $0x30, s20  }
0x52: {  	[hbm4b:s25+s2] =	stream.linear.scatter [tilespmem:s24], [sflag:$0x1], $0x80, $0x38;
	[tilespmem:$0x11480] =	vst v63  }
0x53: {  	s23 =	sadd.s32 $0x7E80, s22;
	s24 =	sadd.s32 $0x40, s20;
	s25 =	smov.u32 s19  }
0x54: {  	[hbm4b:s24+s2] =	stream.linear.scatter [tilespmem:s23], [sflag:$0x1], $0x80, $0x38;
	[tilespmem:$0x11480] =	vst v63  }
0x55: {  	s23 =	sadd.s32 $0x8B00, s22;
	s24 =	sadd.s32 $0x50, s20  }
0x56: {  	[hbm4b:s24+s2] =	stream.linear.scatter [tilespmem:s23], [sflag:$0x1], $0x80, $0x38;
	[tilespmem:$0x11480] =	vst v63  }
0x57: {  	s23 =	sadd.s32 $0x9780, s22;
	s24 =	sadd.s32 $0x60, s20  }
0x58: {  	[hbm4b:s24+s2] =	stream.linear.scatter [tilespmem:s23], [sflag:$0x1], $0x80, $0x38;
	[tilespmem:$0x11480] =	vst v63  }
0x59: {  	s23 =	sadd.s32 $0xA400, s22;
	s24 =	sadd.s32 $0x70, s20  }
0x5a: {  	[hbm4b:s24+s2] =	stream.linear.scatter [tilespmem:s23], [sflag:$0x1], $0x80, $0x38;
	[tilespmem:$0x11480] =	vst v63  }
0x5b: {  	s23 =	sadd.s32 $0xB080, s22  }
0x5c: {  	[hbm4b:s19+s2] =	stream.linear.scatter [tilespmem:s23], [sflag:$0x1], $0x80, $0x38;
	[tilespmem:$0x11480] =	vst v63  }
0x5d: {  	s24 =	sadd.s32 $0x10, s19;
	s23 =	sadd.s32 $0xBD00, s22  }
0x5e: {  	[hbm4b:s24+s2] =	stream.linear.scatter [tilespmem:s23], [sflag:$0x1], $0x80, $0x38;
	[tilespmem:$0x11480] =	vst v63  }
0x5f: {  	s23 =	sadd.s32 $0xC980, s22;
	s24 =	sadd.s32 $0x20, s19  }
0x60: {  	[hbm4b:s24+s2] =	stream.linear.scatter [tilespmem:s23], [sflag:$0x1], $0x80, $0x38;
	[tilespmem:$0x11480] =	vst v63  }
0x61: {  	s23 =	sadd.s32 $0xD600, s22;
	s24 =	sadd.s32 $0x30, s19  }
0x62: {  	[hbm4b:s24+s2] =	stream.linear.scatter [tilespmem:s23], [sflag:$0x1], $0x80, $0x38;
	[tilespmem:$0x11480] =	vst v63  }
0x63: {  	s23 =	sadd.s32 $0xE280, s22;
	s24 =	sadd.s32 $0x40, s19  }
0x64: {  	[hbm4b:s24+s2] =	stream.linear.scatter [tilespmem:s23], [sflag:$0x1], $0x80, $0x38;
	[tilespmem:$0x11480] =	vst v63  }
.Ltmp5:
0x65: {  	s23 =	sadd.s32 $0xEF00, s22;
	s24 =	sadd.s32 $0x50, s19;
	(pc) =	sbr.rel @!p2 .LBB2_8-.Ltmp5, $4  }
0x66: {  	[hbm4b:s24+s2] =	stream.linear.scatter [tilespmem:s23], [sflag:$0x1], $0x80, $0x38;
	[tilespmem:$0x11480] =	vst v63  }
0x67: {  	s19 =	sadd.s32 $0x80, s19;
	s23 =	sadd.s32 $0xFB80, s22;
	s24 =	sadd.s32 $0x60, s25  }
0x68: {  	[hbm4b:s24+s2] =	stream.linear.scatter [tilespmem:s23], [sflag:$0x1], $0x80, $0x38;
	[tilespmem:$0x11480] =	vst v63  }
0x69: {  	s20 =	sadd.s32 $0x80, s20;
	s22 =	sadd.s32 $0x10800, s22;
	s23 =	sadd.s32 $0x70, s25  }
.LBB2_9:
0x6a: {  	[hbm4b:s23+s2] =	stream.linear.scatter @p1 [tilespmem:s22], [sflag:$0x1], $0x80, $0x38;
	[tilespmem:$0x11480] =	vst v63  }
0x6b: {  	s21 =	sadd.s32 $0x4C80, s18  }
0x6c: {  	[hbm4b:s20+s2] =	stream.linear.scatter [tilespmem:s21], [sflag:$0x1], $0x80, $0x38;
	[tilespmem:$0x11480] =	vst v63  }
0x6d: {  	s30 =	sadd.s32 $0x5900, s18;
	s31 =	sadd.s32 $0x10, s20  }
0x6e: {  	[hbm4b:s31+s2] =	stream.linear.scatter [tilespmem:s30], [sflag:$0x1], $0x80, $0x38;
	[tilespmem:$0x11480] =	vst v63  }
0x6f: {  	s23 =	sadd.s32 $0x6580, s18;
	s24 =	sadd.s32 $0x20, s20  }
0x70: {  	[hbm4b:s24+s2] =	stream.linear.scatter [tilespmem:s23], [sflag:$0x1], $0x80, $0x38;
	[tilespmem:$0x11480] =	vst v63  }
0x71: {  	s25 =	sadd.s32 $0x7200, s18;
	s26 =	sadd.s32 $0x30, s20  }
0x72: {  	[hbm4b:s26+s2] =	stream.linear.scatter [tilespmem:s25], [sflag:$0x1], $0x80, $0x38;
	[tilespmem:$0x11480] =	vst v63  }
0x73: {  	s28 =	sadd.s32 $0x7E80, s18;
	s29 =	sadd.s32 $0x40, s20  }
0x74: {  	[hbm4b:s29+s2] =	stream.linear.scatter [tilespmem:s28], [sflag:$0x1], $0x80, $0x38;
	[tilespmem:$0x11480] =	vst v63  }
0x75: {  	s30 =	sadd.s32 $0x8B00, s18;
	s31 =	sadd.s32 $0x50, s20  }
0x76: {  	[hbm4b:s31+s2] =	stream.linear.scatter [tilespmem:s30], [sflag:$0x1], $0x80, $0x38;
	[tilespmem:$0x11480] =	vst v63  }
0x77: {  	s22 =	sadd.s32 $0x9780, s18;
	s23 =	sadd.s32 $0x60, s20  }
0x78: {  	[hbm4b:s23+s2] =	stream.linear.scatter [tilespmem:s22], [sflag:$0x1], $0x80, $0x38;
	[tilespmem:$0x11480] =	vst v63  }
0x79: {  	s24 =	sadd.s32 $0xA400, s18;
	s25 =	sadd.s32 $0x70, s20  }
0x7a: {  	[hbm4b:s25+s2] =	stream.linear.scatter [tilespmem:s24], [sflag:$0x1], $0x80, $0x38;
	[tilespmem:$0x11480] =	vst v63  }
0x7b: {  	s26 =	sadd.s32 $0xB080, s18  }
0x7c: {  	[hbm4b:s19+s2] =	stream.linear.scatter [tilespmem:s26], [sflag:$0x1], $0x80, $0x38;
	[tilespmem:$0x11480] =	vst v63  }
0x7d: {  	s28 =	sadd.s32 $0xBD00, s18;
	s29 =	sadd.s32 $0x10, s19  }
0x7e: {  	[hbm4b:s29+s2] =	stream.linear.scatter [tilespmem:s28], [sflag:$0x1], $0x80, $0x38;
	[tilespmem:$0x11480] =	vst v63  }
0x7f: {  	s30 =	sadd.s32 $0xC980, s18;
	s31 =	sadd.s32 $0x20, s19  }
0x80: {  	[hbm4b:s31+s2] =	stream.linear.scatter [tilespmem:s30], [sflag:$0x1], $0x80, $0x38;
	[tilespmem:$0x11480] =	vst v63  }
0x81: {  	s21 =	sadd.s32 $0xD600, s18;
	s22 =	sadd.s32 $0x30, s19  }
0x82: {  	[hbm4b:s22+s2] =	stream.linear.scatter [tilespmem:s21], [sflag:$0x1], $0x80, $0x38;
	[tilespmem:$0x11480] =	vst v63  }
0x83: {  	s23 =	sadd.s32 $0xE280, s18;
	s24 =	sadd.s32 $0x40, s19  }
0x84: {  	[hbm4b:s24+s2] =	stream.linear.scatter [tilespmem:s23], [sflag:$0x1], $0x80, $0x38;
	[tilespmem:$0x11480] =	vst v63  }
0x85: {  	s25 =	sadd.s32 $0xEF00, s18;
	s26 =	sadd.s32 $0x50, s19  }
0x86: {  	[hbm4b:s26+s2] =	stream.linear.scatter [tilespmem:s25], [sflag:$0x1], $0x80, $0x38;
	[tilespmem:$0x11480] =	vst v63  }
.Ltmp6:
0x87: {  	_ = 	snop;
	(pc) =	sbr.rel @p0 .LBB2_13-.Ltmp6, $4  }
0x88: {  	s28 =	sadd.s32 $0xFB80, s18;
	s29 =	sadd.s32 $0x60, s19  }
0x89: {  	[hbm4b:s29+s2] =	stream.linear.scatter [tilespmem:s28], [sflag:$0x1], $0x80, $0x38;
	[tilespmem:$0x11480] =	vst v63  }
0x8a: {  	s30 =	sadd.s32 $0x10800, s18;
	s31 =	sadd.s32 $0x70, s19  }
0x8b: {  	[hbm4b:s31+s2] =	stream.linear.scatter [tilespmem:s30], [sflag:$0x1], $0x80, $0x38;
	[tilespmem:$0x11480] =	vst v63  }
0x8c: {  	s18 =	sadd.s32 $0xFFFF4480, s13  }
0x8d: {  	[hbm4b:s12+s2] =	stream.linear.scatter [tilespmem:s18], [sflag:$0x1], $0x80, $0x38;
	[tilespmem:$0x11480] =	vst v63  }
0x8e: {  	s31 =	sadd.s32 $0xFFFF5100, s13;
	s19 =	sadd.s32 $0x10, s12  }
0x8f: {  	[hbm4b:s19+s2] =	stream.linear.scatter [tilespmem:s31], [sflag:$0x1], $0x80, $0x38;
	[tilespmem:$0x11480] =	vst v63  }
0x90: {  	s20 =	sadd.s32 $0x20, s12;
	s19 =	sadd.s32 $0xFFFF5D80, s13  }
0x91: {  	[hbm4b:s20+s2] =	stream.linear.scatter [tilespmem:s19], [sflag:$0x1], $0x80, $0x38;
	[tilespmem:$0x11480] =	vst v63  }
0x92: {  	s21 =	sadd.s32 $0xFFFF6A00, s13;
	s22 =	sadd.s32 $0x30, s12  }
0x93: {  	[hbm4b:s22+s2] =	stream.linear.scatter [tilespmem:s21], [sflag:$0x1], $0x80, $0x38;
	[tilespmem:$0x11480] =	vst v63  }
0x94: {  	s23 =	sadd.s32 $0xFFFF7680, s13;
	s24 =	sadd.s32 $0x40, s12  }
0x95: {  	[hbm4b:s24+s2] =	stream.linear.scatter [tilespmem:s23], [sflag:$0x1], $0x80, $0x38;
	[tilespmem:$0x11480] =	vst v63  }
0x96: {  	s25 =	sadd.s32 $0xFFFF8300, s13;
	s26 =	sadd.s32 $0x50, s12  }
0x97: {  	[hbm4b:s26+s2] =	stream.linear.scatter [tilespmem:s25], [sflag:$0x1], $0x80, $0x38;
	[tilespmem:$0x11480] =	vst v63  }
0x98: {  	s28 =	sadd.s32 $0xFFFF8F80, s13;
	s29 =	sadd.s32 $0x60, s12  }
0x99: {  	[hbm4b:s29+s2] =	stream.linear.scatter [tilespmem:s28], [sflag:$0x1], $0x80, $0x38;
	[tilespmem:$0x11480] =	vst v63  }
0x9a: {  	s30 =	sadd.s32 $0xFFFF9C00, s13;
	s31 =	sadd.s32 $0x70, s12  }
0x9b: {  	[hbm4b:s31+s2] =	stream.linear.scatter [tilespmem:s30], [sflag:$0x1], $0x80, $0x38;
	[tilespmem:$0x11480] =	vst v63  }
0x9c: {  	s19 =	sadd.s32 $0x18700, s12;
	s20 =	sadd.s32 $0xFFFFA880, s13  }
0x9d: {  	[hbm4b:s19+s2] =	stream.linear.scatter [tilespmem:s20], [sflag:$0x1], $0x80, $0x38;
	[tilespmem:$0x11480] =	vst v63  }
0x9e: {  	s21 =	sadd.s32 $0xFFFFB500, s13;
	s20 =	sadd.s32 $0x10, s19  }
0x9f: {  	[hbm4b:s20+s2] =	stream.linear.scatter [tilespmem:s21], [sflag:$0x1], $0x80, $0x38;
	[tilespmem:$0x11480] =	vst v63  }
0xa0: {  	s22 =	sadd.s32 $0xFFFFC180, s13;
	s23 =	sadd.s32 $0x20, s19  }
0xa1: {  	[hbm4b:s23+s2] =	stream.linear.scatter [tilespmem:s22], [sflag:$0x1], $0x80, $0x38;
	[tilespmem:$0x11480] =	vst v63  }
0xa2: {  	s18 =	sadd.s32 $0x1, s11;
	s24 =	sadd.s32 $0xFFFFCE00, s13;
	s25 =	sadd.s32 $0x30, s19  }
0xa3: {  	[hbm4b:s25+s2] =	stream.linear.scatter [tilespmem:s24], [sflag:$0x1], $0x80, $0x38;
	[tilespmem:$0x11480] =	vst v63  }
0xa4: {  	p1 =	slt.u32 s18, $0x18;
	s26 =	sadd.s32 $0xFFFFDA80, s13;
	s28 =	sadd.s32 $0x40, s19  }
0xa5: {  	[hbm4b:s28+s2] =	stream.linear.scatter [tilespmem:s26], [sflag:$0x1], $0x80, $0x38;
	[tilespmem:$0x11480] =	vst v63  }
.Ltmp7:
0xa6: {  	s29 =	sadd.s32 $0xFFFFE700, s13;
	s30 =	sadd.s32 $0x50, s19;
	(pc) =	sbr.rel @!p1 .LBB2_12-.Ltmp7, $4  }
0xa7: {  	[hbm4b:s30+s2] =	stream.linear.scatter [tilespmem:s29], [sflag:$0x1], $0x80, $0x38;
	[tilespmem:$0x11480] =	vst v63  }
0xa8: {  	s31 =	sadd.s32 $0xFFFFF380, s13;
	s21 =	sadd.s32 $0x60, s19;
	s20 =	sadd.s32 $0x80, s13  }
0xa9: {  	[hbm4b:s21+s2] =	stream.linear.scatter [tilespmem:s31], [sflag:$0x1], $0x80, $0x38;
	[tilespmem:$0x11480] =	vst v63  }
0xaa: {  	s22 =	sadd.s32 $0x70, s19;
	s19 =	sadd.s32 $0x80, s12;
	s21 =	smov.u32 s13  }
.LBB2_11:
0xab: {  	[hbm4b:s22+s2] =	stream.linear.scatter [tilespmem:s21], [sflag:$0x1], $0x80, $0x38;
	[tilespmem:$0x11480] =	vst v63  }
0xac: {  	s22 =	sadd.s32 $0xFFFF4480, s20;
	s18 =	sadd.s32 $0x1, s18;
	s21 =	smov.u32 s20  }
0xad: {  	[hbm4b:s19+s2] =	stream.linear.scatter [tilespmem:s22], [sflag:$0x1], $0x80, $0x38;
	[tilespmem:$0x11480] =	vst v63  }
0xae: {  	s23 =	sadd.s32 $0x10, s19;
	p1 =	slt.u32 s18, $0x18;
	s22 =	sadd.s32 $0xFFFF5100, s20  }
0xaf: {  	[hbm4b:s23+s2] =	stream.linear.scatter [tilespmem:s22], [sflag:$0x1], $0x80, $0x38;
	[tilespmem:$0x11480] =	vst v63  }
0xb0: {  	s22 =	sadd.s32 $0xFFFF5D80, s20;
	s23 =	sadd.s32 $0x20, s19  }
0xb1: {  	[hbm4b:s23+s2] =	stream.linear.scatter [tilespmem:s22], [sflag:$0x1], $0x80, $0x38;
	[tilespmem:$0x11480] =	vst v63  }
0xb2: {  	s22 =	sadd.s32 $0xFFFF6A00, s20;
	s23 =	sadd.s32 $0x30, s19  }
0xb3: {  	[hbm4b:s23+s2] =	stream.linear.scatter [tilespmem:s22], [sflag:$0x1], $0x80, $0x38;
	[tilespmem:$0x11480] =	vst v63  }
0xb4: {  	s22 =	sadd.s32 $0xFFFF7680, s20;
	s23 =	sadd.s32 $0x40, s19  }
0xb5: {  	[hbm4b:s23+s2] =	stream.linear.scatter [tilespmem:s22], [sflag:$0x1], $0x80, $0x38;
	[tilespmem:$0x11480] =	vst v63  }
0xb6: {  	s22 =	sadd.s32 $0xFFFF8300, s20;
	s23 =	sadd.s32 $0x50, s19  }
0xb7: {  	[hbm4b:s23+s2] =	stream.linear.scatter [tilespmem:s22], [sflag:$0x1], $0x80, $0x38;
	[tilespmem:$0x11480] =	vst v63  }
0xb8: {  	s22 =	sadd.s32 $0xFFFF8F80, s20;
	s23 =	sadd.s32 $0x60, s19  }
0xb9: {  	[hbm4b:s23+s2] =	stream.linear.scatter [tilespmem:s22], [sflag:$0x1], $0x80, $0x38;
	[tilespmem:$0x11480] =	vst v63  }
0xba: {  	s22 =	sadd.s32 $0xFFFF9C00, s20;
	s23 =	sadd.s32 $0x70, s19  }
0xbb: {  	[hbm4b:s23+s2] =	stream.linear.scatter [tilespmem:s22], [sflag:$0x1], $0x80, $0x38;
	[tilespmem:$0x11480] =	vst v63  }
0xbc: {  	s22 =	sadd.s32 $0x18700, s19;
	s23 =	sadd.s32 $0xFFFFA880, s20  }
0xbd: {  	[hbm4b:s22+s2] =	stream.linear.scatter [tilespmem:s23], [sflag:$0x1], $0x80, $0x38;
	[tilespmem:$0x11480] =	vst v63  }
0xbe: {  	s24 =	sadd.s32 $0x10, s22;
	s23 =	sadd.s32 $0xFFFFB500, s20  }
0xbf: {  	[hbm4b:s24+s2] =	stream.linear.scatter [tilespmem:s23], [sflag:$0x1], $0x80, $0x38;
	[tilespmem:$0x11480] =	vst v63  }
0xc0: {  	s23 =	sadd.s32 $0xFFFFC180, s20;
	s24 =	sadd.s32 $0x20, s22  }
0xc1: {  	[hbm4b:s24+s2] =	stream.linear.scatter [tilespmem:s23], [sflag:$0x1], $0x80, $0x38;
	[tilespmem:$0x11480] =	vst v63  }
0xc2: {  	s23 =	sadd.s32 $0xFFFFCE00, s20;
	s24 =	sadd.s32 $0x30, s22  }
0xc3: {  	[hbm4b:s24+s2] =	stream.linear.scatter [tilespmem:s23], [sflag:$0x1], $0x80, $0x38;
	[tilespmem:$0x11480] =	vst v63  }
0xc4: {  	s23 =	sadd.s32 $0xFFFFDA80, s20;
	s24 =	sadd.s32 $0x40, s22  }
0xc5: {  	[hbm4b:s24+s2] =	stream.linear.scatter [tilespmem:s23], [sflag:$0x1], $0x80, $0x38;
	[tilespmem:$0x11480] =	vst v63  }
.Ltmp8:
0xc6: {  	s23 =	sadd.s32 $0xFFFFE700, s20;
	s24 =	sadd.s32 $0x50, s22;
	(pc) =	sbr.rel @p1 .LBB2_11-.Ltmp8, $4  }
0xc7: {  	[hbm4b:s24+s2] =	stream.linear.scatter [tilespmem:s23], [sflag:$0x1], $0x80, $0x38;
	[tilespmem:$0x11480] =	vst v63  }
0xc8: {  	s23 =	sadd.s32 $0xFFFFF380, s20;
	s24 =	sadd.s32 $0x60, s22  }
0xc9: {  	[hbm4b:s24+s2] =	stream.linear.scatter [tilespmem:s23], [sflag:$0x1], $0x80, $0x38;
	[tilespmem:$0x11480] =	vst v63  }
0xca: {  	s19 =	sadd.s32 $0x80, s19;
	s22 =	sadd.s32 $0x70, s22;
	s20 =	sadd.s32 $0x80, s20  }
.LBB2_12:
0xcb: {  	[hbm4b:s22+s2] =	stream.linear.scatter [tilespmem:s21], [sflag:$0x1], $0x80, $0x38;
	[tilespmem:$0x11480] =	vst v63  }
.LBB2_13:
0xcc: {  	p1 =	sne.s32 s6, $0x1  }
.Ltmp9:
0xcd: {  	_ = 	snop;
	(pc) =	sbr.rel @!p1 .LBB2_15-.Ltmp9, $3  }
0xce: {  	_ =	sdelay $0x1  }
0xcf: {  	_ =	swait.ge [sflag:s15], $0x400  }
0xd0: {  	s18 =	sadd.s32 $0xFFFFFFFF, s6;
	[sflag:s15] =	ssyncset.done $0x0  }
.LBB2_14:
0xd1: {  	p1 =	sne.s32 s18, $0x1;
	s18 =	sadd.s32 $0xFFFFFFFF, s18;
	[sflag:s15] =	ssyncadd.s32 $0xFFFFFC00  }
.Ltmp10:
0xd2: {  	(pc) =	sbr.rel @p1 .LBB2_14-.Ltmp10, $3  }
0xd3: {  	_ =	sdelay $0x1  }
0xd4: {  	_ =	swait.ge [sflag:s15], $0x400  }
0xd5: {  	[sflag:s15] =	ssyncset.done $0x0  }
.LBB2_15:
0xd6: {  	s17 =	sadd.s32 $0x1, s17  }
0xd7: {  	p1 =	sne.s32 s17, s7  }
.Ltmp11:
0xd8: {  	_ = 	snop;
	(pc) =	sbr.rel @p1 .LBB2_1-.Ltmp11, $2  }
0xd9: {  	_ =	sdelay $0x2  }
0xda: {  	[sflag:s15] =	ssyncadd.s32 $0xFFFFFC00  }
0xdb: {  	_ =	sfence.sel $0x180000  }
0xdc: {  	[bflag:$0x0] =	sbarrier.arrive $0xFFFF  }
0xdd: {  	p0 =	sne.s32 s1, $0x0;
	_ =	strace $0x90000047  }
0xde: {  	s0 =	sadd.s32 @!p0 $0x100000, s0;
	[bflag:$0x2] =	sbarrier.arrive $0xFFFF  }
0xdf: {  	[sflag:s0] =	ssyncadd.tile.s32 @!p0 $0x1;
	_ =	shalt  }
.Lfunc_end2:
_tile_overlayer_lowered:
.L_overlay_start_2:
0xe0: {  	(tag) =	ssettag $0x2  }
0xe1: {  	s0 =	rddreg [dreg:$0x0];
	s2 =	stileid.u32  }
0xe2: {  	s1 =	rddreg [dreg:$0x1];
	p0 =	sne.s32 s2, $0x0  }
0xe3: {  	s3 =	rddreg [dreg:$0x2];
	[bflag:$0x3] =	sbarrier.arrive $0xFFFF;
	s2 =	simm.s32 @!p0 $0x1C03  }
0xe4: {  	[timem:s3], [sflag:s2] =	dma.local @!p0 [hbm:s0], s1  }
0xe5: {  	s0 =	simm.s32 @!p0 $0x3  }
0xe6: {  	_ =	swait.ge @!p0 [sflag:s0], s1  }
0xe7: {  	s1 =	ssub.s32 @!p0 $0x0, s1;
	[sflag:s0] =	ssyncset.done @!p0 $0x0  }
0xe8: {  	[sflag:s0] =	ssyncadd.s32 @!p0 s1  }
0xe9: {  	[bflag:$0x3] =	sbarrier.arrive $0xFFFF  }
0xea: {  	_ =	shalt  }

</sc_bundles>
